<compile_context>
chip_gen: v7x
topology: tpu7x:2x2x1
jax: 0.10.2.dev20260603
libtpu: 0.0.44.dev20260713+nightly
codegen_flags: <defaults>
</compile_context>

<pallas_src>
import functools

import jax
import jax.numpy as jnp
from jax import lax
from jax.experimental import pallas as pl
from jax.experimental.pallas import tpu as pltpu
from jax.experimental.pallas import tpu_sc as plsc

N = 10000
E = 320000
D = 128
NPAD = 10240
NC = 2
NS = 16
EPW = E // NS


BE = E
ESTEPS = 1


def _detile_body(p_ref, n_ref, sp_ref, dp_ref, sn_ref, dn_ref):
    sp_ref[...] = p_ref[0]
    dp_ref[...] = p_ref[1]
    sn_ref[...] = n_ref[0]
    dn_ref[...] = n_ref[1]


_tc_detile = pl.pallas_call(
    _detile_body,
    grid=(ESTEPS,),
    in_specs=[
        pl.BlockSpec((2, BE), lambda k: (0, k)),
        pl.BlockSpec((2, BE), lambda k: (0, k)),
    ],
    out_specs=[
        pl.BlockSpec((BE,), lambda k: (k,)),
        pl.BlockSpec((BE,), lambda k: (k,)),
        pl.BlockSpec((BE,), lambda k: (k,)),
        pl.BlockSpec((BE,), lambda k: (k,)),
    ],
    out_shape=[jax.ShapeDtypeStruct((E,), jnp.int32) for _ in range(4)],
)



def _sc_mesh():
    return plsc.VectorSubcoreMesh(
        core_axis_name="c", subcore_axis_name="s", num_cores=NC, num_subcores=NS
    )


@functools.partial(
    pl.kernel,
    out_type=jax.ShapeDtypeStruct((NC, NPAD), jnp.float32),
    mesh=_sc_mesh(),
    scratch_types=[
        pltpu.VMEM((EPW,), jnp.int32),
        pltpu.VMEM((EPW,), jnp.int32),
        pltpu.VMEM((EPW,), jnp.float32),
        pltpu.VMEM((EPW,), jnp.float32),
        pltpu.VMEM_SHARED((NPAD,), jnp.float32),
        pltpu.VMEM_SHARED((NPAD,), jnp.float32),
    ],
)
def _sc_segment_weights(
    dstp_hbm, srcp_hbm, dstn_hbm, srcn_hbm, ones_hbm, zeros_hbm,
    out_hbm,
    dst_v, src_v, ones_v, w_v,
    cnt_sh, s_sh,
):
    c = lax.axis_index("c")
    s = lax.axis_index("s")

    base = s * EPW

    @pl.when(c == 0)
    def _():
        pltpu.sync_copy(dstp_hbm.at[pl.ds(base, EPW)], dst_v)
        pltpu.sync_copy(srcp_hbm.at[pl.ds(base, EPW)], src_v)

    @pl.when(c == 1)
    def _():
        pltpu.sync_copy(dstn_hbm.at[pl.ds(base, EPW)], dst_v)
        pltpu.sync_copy(srcn_hbm.at[pl.ds(base, EPW)], src_v)

    pltpu.sync_copy(ones_hbm, ones_v)

    @pl.when(s == 0)
    def _():
        pltpu.sync_copy(zeros_hbm, cnt_sh)
        pltpu.sync_copy(zeros_hbm, s_sh)

    plsc.subcore_barrier()

    pltpu.sync_copy(ones_v, cnt_sh.at[dst_v], add=True)

    plsc.subcore_barrier()

    pltpu.sync_copy(cnt_sh.at[dst_v], w_v)

    def _recip(i, carry):
        for t in range(10):
            sl = pl.ds(i * 160 + t * 16, 16)
            w_v[sl] = 1.0 / w_v[sl]
        return carry

    lax.fori_loop(0, EPW // 160, _recip, 0)
    pltpu.sync_copy(w_v, s_sh.at[src_v], add=True)

    plsc.subcore_barrier()

    @pl.when(s == 0)
    def _():
        pltpu.sync_copy(s_sh, out_hbm.at[c])



def _tc_body(s2_ref, x_ref, wlp_ref, wln_ref, wrp_ref, wrn_ref,
             blp_ref, bln_ref, out_ref):
    v3 = jnp.concatenate(
        [s2_ref[...][:, :N], jnp.ones((1, N), jnp.float32)], axis=0
    )
    y = lax.dot_general(
        v3, x_ref[...], (((1,), (0,)), ((), ())),
        preferred_element_type=jnp.float32,
    )
    sp = y[0:1]
    sn = y[1:2]
    xs = y[2:3]

    def _dot_t(a, w_ref):
        return lax.dot_general(
            a, w_ref[...], (((1,), (1,)), ((), ())),
            preferred_element_type=jnp.float32,
        )

    out_ref[...] = (
        _dot_t(sp, wlp_ref) + _dot_t(sn, wln_ref)
        + _dot_t(xs, wrp_ref) + _dot_t(xs, wrn_ref)
    ) * (1.0 / N) + blp_ref[...] + bln_ref[...]


_tc_combine = pl.pallas_call(
    _tc_body,
    grid=(1,),
    in_specs=[
        pl.BlockSpec((2, NPAD), lambda k: (0, 0)),
        pl.BlockSpec((N, D), lambda k: (0, 0)),
        pl.BlockSpec((D, D), lambda k: (0, 0)),
        pl.BlockSpec((D, D), lambda k: (0, 0)),
        pl.BlockSpec((D, D), lambda k: (0, 0)),
        pl.BlockSpec((D, D), lambda k: (0, 0)),
        pl.BlockSpec((1, D), lambda k: (0, 0)),
        pl.BlockSpec((1, D), lambda k: (0, 0)),
    ],
    out_specs=pl.BlockSpec((1, D), lambda k: (0, 0)),
    out_shape=jax.ShapeDtypeStruct((1, D), jnp.float32),
)


@jax.jit
def kernel(x, edge_index_pos, edge_index_neg,
           Wl_pos, bl_pos, Wr_pos, Wl_neg, bl_neg, Wr_neg):
    if edge_index_pos.dtype != jnp.int32:
        edge_index_pos = edge_index_pos.astype(jnp.int32)
        edge_index_neg = edge_index_neg.astype(jnp.int32)
    srcp, dstp, srcn, dstn = _tc_detile(edge_index_pos, edge_index_neg)

    ones_vals = jnp.ones((EPW,), jnp.float32)
    zeros_np = jnp.zeros((NPAD,), jnp.float32)

    s2 = _sc_segment_weights(dstp, srcp, dstn, srcn, ones_vals, zeros_np)

    return _tc_combine(
        s2, x, Wl_pos, Wl_neg, Wr_pos, Wr_neg,
        bl_pos.reshape(1, D), bl_neg.reshape(1, D),
    )

# --- scband reference (transcript-rebuilt; emitter-appended) ---
"""Pipeline reference for scband-hetero-gnn-70935679860741 (READ-ONLY COPY).

The authoritative reference and input builder live on the scoring server;
editing this copy changes nothing except your own understanding.
"""

import jax, jax.numpy as jnp
import numpy as np

N = 10000   # n_nodes
E = 320000  # edges per relation
D = 128     # in_channels (d_feat)
H = 128     # hidden_channels


def setup_inputs(seed: int = 0) -> dict:
    key = jax.random.key(seed)
    ks = jax.random.split(key, 10)
    x = jax.random.normal(ks[0], (N, D), dtype=jnp.float32)
    edge_index_pos = jax.random.randint(ks[1], (2, E), 0, N)
    edge_index_neg = jax.random.randint(ks[2], (2, E), 0, N)
    s = 1.0 / np.sqrt(D)
    # SAGEConv params for ('node','pos','node') and ('node','neg','node')
    Wl_pos = jax.random.uniform(ks[3], (H, D), minval=-s, maxval=s, dtype=jnp.float32)
    bl_pos = jax.random.uniform(ks[4], (H,), minval=-s, maxval=s, dtype=jnp.float32)
    Wr_pos = jax.random.uniform(ks[5], (H, D), minval=-s, maxval=s, dtype=jnp.float32)
    Wl_neg = jax.random.uniform(ks[6], (H, D), minval=-s, maxval=s, dtype=jnp.float32)
    bl_neg = jax.random.uniform(ks[7], (H,), minval=-s, maxval=s, dtype=jnp.float32)
    Wr_neg = jax.random.uniform(ks[8], (H, D), minval=-s, maxval=s, dtype=jnp.float32)
    return {
        "x": x,
        "edge_index_pos": edge_index_pos,
        "edge_index_neg": edge_index_neg,
        "Wl_pos": Wl_pos, "bl_pos": bl_pos, "Wr_pos": Wr_pos,
        "Wl_neg": Wl_neg, "bl_neg": bl_neg, "Wr_neg": Wr_neg,
    }


def _sage_conv(x, edge_index, Wl, bl, Wr):
    # PyG SAGEConv (aggr='mean', root_weight=True):
    #   out = lin_l(mean_{j in N(i)} x_j) + lin_r(x_i)
    src = edge_index[0]
    dst = edge_index[1]
    msg = jnp.take(x, src, axis=0)                      # gather [E, D]
    agg = jax.ops.segment_sum(msg, dst, num_segments=N)  # scatter-add [N, D]
    cnt = jax.ops.segment_sum(jnp.ones((edge_index.shape[1],), x.dtype), dst, num_segments=N)
    mean = agg / jnp.clip(cnt, 1.0)[:, None]
    return mean @ Wl.T + bl + x @ Wr.T


def reference(x, edge_index_pos, edge_index_neg, Wl_pos, bl_pos, Wr_pos, Wl_neg, bl_neg, Wr_neg):
    # HeteroConv with aggr='sum' over the two relations, single node type 'node'
    out_pos = _sage_conv(x, edge_index_pos, Wl_pos, bl_pos, Wr_pos)
    out_neg = _sage_conv(x, edge_index_neg, Wl_neg, bl_neg, Wr_neg)
    node_emb = out_pos + out_neg                        # [N, H]
    hetero_feature = jnp.mean(node_emb, axis=0)[None, :]  # [1, H]
    return hetero_feature

if __name__ == "__main__":
    import jax
    _d = setup_inputs()
    print(jax.jit(kernel)(*tuple(_d.values())))

</pallas_src>

<mosaic_0001>
#map = affine_map<(d0, d1) -> (0)>
#map1 = affine_map<(d0, d1) -> (0, 0)>
module attributes {stable_mosaic.version = 14 : i64} {
  func.func @_sc_segment_weights(%arg0: i32, %arg1: i32, %arg2: memref<320000xi32, #tpu.memory_space<hbm>>, %arg3: memref<320000xi32, #tpu.memory_space<hbm>>, %arg4: memref<320000xi32, #tpu.memory_space<hbm>>, %arg5: memref<320000xi32, #tpu.memory_space<hbm>>, %arg6: memref<20000xf32, #tpu.memory_space<hbm>>, %arg7: memref<10240xf32, #tpu.memory_space<hbm>>, %arg8: memref<2x10240xf32, #tpu.memory_space<hbm>>, %arg9: memref<20000xi32, #tpu.memory_space<vmem>>, %arg10: memref<20000xi32, #tpu.memory_space<vmem>>, %arg11: memref<20000xf32, #tpu.memory_space<vmem>>, %arg12: memref<20000xf32, #tpu.memory_space<vmem>>, %arg13: memref<10240xf32, #tpu.memory_space<vmem_shared>>, %arg14: memref<10240xf32, #tpu.memory_space<vmem_shared>>) attributes {dimension_semantics = [#tpu.dimension_semantics<core_parallel>, #tpu.dimension_semantics<subcore_parallel>], iteration_bounds = array<i64: 2, 16>, scalar_prefetch = 0 : i64, scratch_operands = 6 : i64, tpu.core_type = #tpu.core_type<sc_vector_subcore>, window_params = [{transform_indices = #map}, {transform_indices = #map}, {transform_indices = #map}, {transform_indices = #map}, {transform_indices = #map}, {transform_indices = #map}, {transform_indices = #map1}]} {
    %mul3A = arith.constant 20000 : i32
    %mul3A_0 = arith.muli %arg1, %mul3A : i32
    %eq3A = arith.constant 0 : i32
    %eq3A_1 = arith.cmpi eq, %arg0, %eq3A : i32
    %convert_element_type3A = arith.extui %eq3A_1 : i1 to i32
    %cond3A = arith.constant 0 : i32
    %cond3A_2 = arith.cmpi ne, %convert_element_type3A, %cond3A : i32
    scf.if %cond3A_2 {
      "tpu.region"() ({
        %run_scoped3A = tpu.sem_alloc : memref<!tpu.dma_semaphore, #tpu.memory_space<semaphore_mem>>
        %dma_start3A = tpu.memref_slice %arg2[%mul3A_0] : memref<320000xi32, #tpu.memory_space<hbm>> -> memref<20000xi32, #tpu.memory_space<hbm>>
        %dma_start3A_25 = tpu.memref_slice %arg2[%mul3A_0] : memref<320000xi32, #tpu.memory_space<hbm>> -> memref<20000xi32, #tpu.memory_space<hbm>>
        tpu.enqueue_dma source(%dma_start3A_25 : memref<20000xi32, #tpu.memory_space<hbm>>) target(%arg9 : memref<20000xi32, #tpu.memory_space<vmem>>) target_semaphore(%run_scoped3A : memref<!tpu.dma_semaphore, #tpu.memory_space<semaphore_mem>>)
        %dma_wait3A = tpu.memref_slice %arg2[%mul3A_0] : memref<320000xi32, #tpu.memory_space<hbm>> -> memref<20000xi32, #tpu.memory_space<hbm>>
        %dma_wait3A_26 = tpu.memref_slice %arg2[%mul3A_0] : memref<320000xi32, #tpu.memory_space<hbm>> -> memref<20000xi32, #tpu.memory_space<hbm>>
        tpu.wait_dma2 semaphore(%run_scoped3A : memref<!tpu.dma_semaphore, #tpu.memory_space<semaphore_mem>>) src(%dma_wait3A_26 : memref<20000xi32, #tpu.memory_space<hbm>>) dst(%arg9 : memref<20000xi32, #tpu.memory_space<vmem>>)
        tpu.yield
      }) : () -> ()
      "tpu.region"() ({
        %run_scoped3A = tpu.sem_alloc : memref<!tpu.dma_semaphore, #tpu.memory_space<semaphore_mem>>
        %dma_start3A = tpu.memref_slice %arg3[%mul3A_0] : memref<320000xi32, #tpu.memory_space<hbm>> -> memref<20000xi32, #tpu.memory_space<hbm>>
        %dma_start3A_25 = tpu.memref_slice %arg3[%mul3A_0] : memref<320000xi32, #tpu.memory_space<hbm>> -> memref<20000xi32, #tpu.memory_space<hbm>>
        tpu.enqueue_dma source(%dma_start3A_25 : memref<20000xi32, #tpu.memory_space<hbm>>) target(%arg10 : memref<20000xi32, #tpu.memory_space<vmem>>) target_semaphore(%run_scoped3A : memref<!tpu.dma_semaphore, #tpu.memory_space<semaphore_mem>>)
        %dma_wait3A = tpu.memref_slice %arg3[%mul3A_0] : memref<320000xi32, #tpu.memory_space<hbm>> -> memref<20000xi32, #tpu.memory_space<hbm>>
        %dma_wait3A_26 = tpu.memref_slice %arg3[%mul3A_0] : memref<320000xi32, #tpu.memory_space<hbm>> -> memref<20000xi32, #tpu.memory_space<hbm>>
        tpu.wait_dma2 semaphore(%run_scoped3A : memref<!tpu.dma_semaphore, #tpu.memory_space<semaphore_mem>>) src(%dma_wait3A_26 : memref<20000xi32, #tpu.memory_space<hbm>>) dst(%arg10 : memref<20000xi32, #tpu.memory_space<vmem>>)
        tpu.yield
      }) : () -> ()
    } else {
    }
    %eq3A_3 = arith.constant 1 : i32
    %eq3A_4 = arith.cmpi eq, %arg0, %eq3A_3 : i32
    %convert_element_type3A_5 = arith.extui %eq3A_4 : i1 to i32
    %cond3A_6 = arith.constant 0 : i32
    %cond3A_7 = arith.cmpi ne, %convert_element_type3A_5, %cond3A_6 : i32
    scf.if %cond3A_7 {
      "tpu.region"() ({
        %run_scoped3A = tpu.sem_alloc : memref<!tpu.dma_semaphore, #tpu.memory_space<semaphore_mem>>
        %dma_start3A = tpu.memref_slice %arg4[%mul3A_0] : memref<320000xi32, #tpu.memory_space<hbm>> -> memref<20000xi32, #tpu.memory_space<hbm>>
        %dma_start3A_25 = tpu.memref_slice %arg4[%mul3A_0] : memref<320000xi32, #tpu.memory_space<hbm>> -> memref<20000xi32, #tpu.memory_space<hbm>>
        tpu.enqueue_dma source(%dma_start3A_25 : memref<20000xi32, #tpu.memory_space<hbm>>) target(%arg9 : memref<20000xi32, #tpu.memory_space<vmem>>) target_semaphore(%run_scoped3A : memref<!tpu.dma_semaphore, #tpu.memory_space<semaphore_mem>>)
        %dma_wait3A = tpu.memref_slice %arg4[%mul3A_0] : memref<320000xi32, #tpu.memory_space<hbm>> -> memref<20000xi32, #tpu.memory_space<hbm>>
        %dma_wait3A_26 = tpu.memref_slice %arg4[%mul3A_0] : memref<320000xi32, #tpu.memory_space<hbm>> -> memref<20000xi32, #tpu.memory_space<hbm>>
        tpu.wait_dma2 semaphore(%run_scoped3A : memref<!tpu.dma_semaphore, #tpu.memory_space<semaphore_mem>>) src(%dma_wait3A_26 : memref<20000xi32, #tpu.memory_space<hbm>>) dst(%arg9 : memref<20000xi32, #tpu.memory_space<vmem>>)
        tpu.yield
      }) : () -> ()
      "tpu.region"() ({
        %run_scoped3A = tpu.sem_alloc : memref<!tpu.dma_semaphore, #tpu.memory_space<semaphore_mem>>
        %dma_start3A = tpu.memref_slice %arg5[%mul3A_0] : memref<320000xi32, #tpu.memory_space<hbm>> -> memref<20000xi32, #tpu.memory_space<hbm>>
        %dma_start3A_25 = tpu.memref_slice %arg5[%mul3A_0] : memref<320000xi32, #tpu.memory_space<hbm>> -> memref<20000xi32, #tpu.memory_space<hbm>>
        tpu.enqueue_dma source(%dma_start3A_25 : memref<20000xi32, #tpu.memory_space<hbm>>) target(%arg10 : memref<20000xi32, #tpu.memory_space<vmem>>) target_semaphore(%run_scoped3A : memref<!tpu.dma_semaphore, #tpu.memory_space<semaphore_mem>>)
        %dma_wait3A = tpu.memref_slice %arg5[%mul3A_0] : memref<320000xi32, #tpu.memory_space<hbm>> -> memref<20000xi32, #tpu.memory_space<hbm>>
        %dma_wait3A_26 = tpu.memref_slice %arg5[%mul3A_0] : memref<320000xi32, #tpu.memory_space<hbm>> -> memref<20000xi32, #tpu.memory_space<hbm>>
        tpu.wait_dma2 semaphore(%run_scoped3A : memref<!tpu.dma_semaphore, #tpu.memory_space<semaphore_mem>>) src(%dma_wait3A_26 : memref<20000xi32, #tpu.memory_space<hbm>>) dst(%arg10 : memref<20000xi32, #tpu.memory_space<vmem>>)
        tpu.yield
      }) : () -> ()
    } else {
    }
    "tpu.region"() ({
      %run_scoped3A = tpu.sem_alloc : memref<!tpu.dma_semaphore, #tpu.memory_space<semaphore_mem>>
      tpu.enqueue_dma source(%arg6 : memref<20000xf32, #tpu.memory_space<hbm>>) target(%arg11 : memref<20000xf32, #tpu.memory_space<vmem>>) target_semaphore(%run_scoped3A : memref<!tpu.dma_semaphore, #tpu.memory_space<semaphore_mem>>)
      tpu.wait_dma2 semaphore(%run_scoped3A : memref<!tpu.dma_semaphore, #tpu.memory_space<semaphore_mem>>) src(%arg6 : memref<20000xf32, #tpu.memory_space<hbm>>) dst(%arg11 : memref<20000xf32, #tpu.memory_space<vmem>>)
      tpu.yield
    }) : () -> ()
    %eq3A_8 = arith.constant 0 : i32
    %eq3A_9 = arith.cmpi eq, %arg1, %eq3A_8 : i32
    %convert_element_type3A_10 = arith.extui %eq3A_9 : i1 to i32
    %cond3A_11 = arith.constant 0 : i32
    %cond3A_12 = arith.cmpi ne, %convert_element_type3A_10, %cond3A_11 : i32
    scf.if %cond3A_12 {
      "tpu.region"() ({
        %run_scoped3A = tpu.sem_alloc : memref<!tpu.dma_semaphore, #tpu.memory_space<semaphore_mem>>
        tpu.enqueue_dma source(%arg7 : memref<10240xf32, #tpu.memory_space<hbm>>) target(%arg13 : memref<10240xf32, #tpu.memory_space<vmem_shared>>) target_semaphore(%run_scoped3A : memref<!tpu.dma_semaphore, #tpu.memory_space<semaphore_mem>>)
        tpu.wait_dma2 semaphore(%run_scoped3A : memref<!tpu.dma_semaphore, #tpu.memory_space<semaphore_mem>>) src(%arg7 : memref<10240xf32, #tpu.memory_space<hbm>>) dst(%arg13 : memref<10240xf32, #tpu.memory_space<vmem_shared>>)
        tpu.yield
      }) : () -> ()
      "tpu.region"() ({
        %run_scoped3A = tpu.sem_alloc : memref<!tpu.dma_semaphore, #tpu.memory_space<semaphore_mem>>
        tpu.enqueue_dma source(%arg7 : memref<10240xf32, #tpu.memory_space<hbm>>) target(%arg14 : memref<10240xf32, #tpu.memory_space<vmem_shared>>) target_semaphore(%run_scoped3A : memref<!tpu.dma_semaphore, #tpu.memory_space<semaphore_mem>>)
        tpu.wait_dma2 semaphore(%run_scoped3A : memref<!tpu.dma_semaphore, #tpu.memory_space<semaphore_mem>>) src(%arg7 : memref<10240xf32, #tpu.memory_space<hbm>>) dst(%arg14 : memref<10240xf32, #tpu.memory_space<vmem_shared>>)
        tpu.yield
      }) : () -> ()
    } else {
    }
    %barrier3A = arith.constant 0 : index
    tpu.barrier barrier_id(%barrier3A)
    "tpu.region"() ({
      %run_scoped3A = tpu.sem_alloc : memref<!tpu.dma_semaphore, #tpu.memory_space<semaphore_mem>>
      %dma_start3A = arith.constant 0 : i32
      %dma_start3A_25 = tpu.memref_slice %arg13[%dma_start3A] : memref<10240xf32, #tpu.memory_space<vmem_shared>> -> memref<10240xf32, #tpu.memory_space<vmem_shared>>
      tpu.enqueue_indirect_dma source(%arg11 : memref<20000xf32, #tpu.memory_space<vmem>>) target(%dma_start3A_25 : memref<10240xf32, #tpu.memory_space<vmem_shared>>) offsets(%arg9 : memref<20000xi32, #tpu.memory_space<vmem>>) semaphore(%run_scoped3A : memref<!tpu.dma_semaphore, #tpu.memory_space<semaphore_mem>>) {add = true}
      %dma_wait3A = arith.constant 0 : i32
      %dma_wait3A_26 = tpu.memref_slice %arg13[%dma_wait3A] : memref<10240xf32, #tpu.memory_space<vmem_shared>> -> memref<10240xf32, #tpu.memory_space<vmem_shared>>
      tpu.wait_indirect_dma semaphore(%run_scoped3A : memref<!tpu.dma_semaphore, #tpu.memory_space<semaphore_mem>>) src(%arg11 : memref<20000xf32, #tpu.memory_space<vmem>>) dst(%dma_wait3A_26 : memref<10240xf32, #tpu.memory_space<vmem_shared>>)
      tpu.yield
    }) : () -> ()
    %barrier3A_13 = arith.constant 0 : index
    tpu.barrier barrier_id(%barrier3A_13)
    "tpu.region"() ({
      %run_scoped3A = tpu.sem_alloc : memref<!tpu.dma_semaphore, #tpu.memory_space<semaphore_mem>>
      %dma_start3A = arith.constant 0 : i32
      %dma_start3A_25 = tpu.memref_slice %arg13[%dma_start3A] : memref<10240xf32, #tpu.memory_space<vmem_shared>> -> memref<10240xf32, #tpu.memory_space<vmem_shared>>
      tpu.enqueue_indirect_dma source(%dma_start3A_25 : memref<10240xf32, #tpu.memory_space<vmem_shared>>) target(%arg12 : memref<20000xf32, #tpu.memory_space<vmem>>) offsets(%arg9 : memref<20000xi32, #tpu.memory_space<vmem>>) semaphore(%run_scoped3A : memref<!tpu.dma_semaphore, #tpu.memory_space<semaphore_mem>>)
      %dma_wait3A = arith.constant 0 : i32
      %dma_wait3A_26 = tpu.memref_slice %arg13[%dma_wait3A] : memref<10240xf32, #tpu.memory_space<vmem_shared>> -> memref<10240xf32, #tpu.memory_space<vmem_shared>>
      tpu.wait_indirect_dma semaphore(%run_scoped3A : memref<!tpu.dma_semaphore, #tpu.memory_space<semaphore_mem>>) src(%dma_wait3A_26 : memref<10240xf32, #tpu.memory_space<vmem_shared>>) dst(%arg12 : memref<20000xf32, #tpu.memory_space<vmem>>)
      tpu.yield
    }) : () -> ()
    %scan3A = arith.constant 0 : i32
    %scan3A_14 = arith.constant 0 : i32
    %scan3A_15 = arith.constant 125 : i32
    %scan3A_16 = arith.addi %scan3A_14, %scan3A_15 : i32
    %scan3A_17 = arith.constant 1 : i32
    scf.for %scan3A_25 = %scan3A_14 to %scan3A_16 step %scan3A_17  : i32 {
      %mul3A_26 = arith.constant 160 : i32
      %mul3A_27 = arith.muli %scan3A_25, %mul3A_26 : i32
      %add3A = arith.constant 0 : i32
      %add3A_28 = arith.addi %mul3A_27, %add3A : i32
      %get3A = arith.index_cast %add3A_28 : i32 to index
      %get3A_29 = tpu.vector_load %arg12[%get3A] {strides = array<i32>} : memref<20000xf32, #tpu.memory_space<vmem>>, vector<16xf32>,
      %get3A_30 = vector.shape_cast %get3A_29 : vector<16xf32> to vector<16xf32>
      %div3A = arith.constant 1.000000e+00 : f32
      %div3A_31 = vector.broadcast %div3A : f32 to vector<16xf32>
      %div3A_32 = arith.divf %div3A_31, %get3A_30 : vector<16xf32>
      %swap3A = arith.index_cast %add3A_28 : i32 to index
      %swap3A_33 = tpu.vector_load %arg12[%swap3A] {strides = array<i32>} : memref<20000xf32, #tpu.memory_space<vmem>>, vector<16xf32>,
      %swap3A_34 = vector.shape_cast %swap3A_33 : vector<16xf32> to vector<16xf32>
      %swap3A_35 = vector.shape_cast %div3A_32 : vector<16xf32> to vector<16xf32>
      tpu.vector_store %arg12[%swap3A], %swap3A_35 {strides = array<i32>} : memref<20000xf32, #tpu.memory_space<vmem>>, vector<16xf32>,
      %mul3A_36 = arith.constant 160 : i32
      %mul3A_37 = arith.muli %scan3A_25, %mul3A_36 : i32
      %add3A_38 = arith.constant 16 : i32
      %add3A_39 = arith.addi %mul3A_37, %add3A_38 : i32
      %get3A_40 = arith.index_cast %add3A_39 : i32 to index
      %get3A_41 = tpu.vector_load %arg12[%get3A_40] {strides = array<i32>} : memref<20000xf32, #tpu.memory_space<vmem>>, vector<16xf32>,
      %get3A_42 = vector.shape_cast %get3A_41 : vector<16xf32> to vector<16xf32>
      %div3A_43 = arith.constant 1.000000e+00 : f32
      %div3A_44 = vector.broadcast %div3A_43 : f32 to vector<16xf32>
      %div3A_45 = arith.divf %div3A_44, %get3A_42 : vector<16xf32>
      %swap3A_46 = arith.index_cast %add3A_39 : i32 to index
      %swap3A_47 = tpu.vector_load %arg12[%swap3A_46] {strides = array<i32>} : memref<20000xf32, #tpu.memory_space<vmem>>, vector<16xf32>,
      %swap3A_48 = vector.shape_cast %swap3A_47 : vector<16xf32> to vector<16xf32>
      %swap3A_49 = vector.shape_cast %div3A_45 : vector<16xf32> to vector<16xf32>
      tpu.vector_store %arg12[%swap3A_46], %swap3A_49 {strides = array<i32>} : memref<20000xf32, #tpu.memory_space<vmem>>, vector<16xf32>,
      %mul3A_50 = arith.constant 160 : i32
      %mul3A_51 = arith.muli %scan3A_25, %mul3A_50 : i32
      %add3A_52 = arith.constant 32 : i32
      %add3A_53 = arith.addi %mul3A_51, %add3A_52 : i32
      %get3A_54 = arith.index_cast %add3A_53 : i32 to index
      %get3A_55 = tpu.vector_load %arg12[%get3A_54] {strides = array<i32>} : memref<20000xf32, #tpu.memory_space<vmem>>, vector<16xf32>,
      %get3A_56 = vector.shape_cast %get3A_55 : vector<16xf32> to vector<16xf32>
      %div3A_57 = arith.constant 1.000000e+00 : f32
      %div3A_58 = vector.broadcast %div3A_57 : f32 to vector<16xf32>
      %div3A_59 = arith.divf %div3A_58, %get3A_56 : vector<16xf32>
      %swap3A_60 = arith.index_cast %add3A_53 : i32 to index
      %swap3A_61 = tpu.vector_load %arg12[%swap3A_60] {strides = array<i32>} : memref<20000xf32, #tpu.memory_space<vmem>>, vector<16xf32>,
      %swap3A_62 = vector.shape_cast %swap3A_61 : vector<16xf32> to vector<16xf32>
      %swap3A_63 = vector.shape_cast %div3A_59 : vector<16xf32> to vector<16xf32>
      tpu.vector_store %arg12[%swap3A_60], %swap3A_63 {strides = array<i32>} : memref<20000xf32, #tpu.memory_space<vmem>>, vector<16xf32>,
      %mul3A_64 = arith.constant 160 : i32
      %mul3A_65 = arith.muli %scan3A_25, %mul3A_64 : i32
      %add3A_66 = arith.constant 48 : i32
      %add3A_67 = arith.addi %mul3A_65, %add3A_66 : i32
      %get3A_68 = arith.index_cast %add3A_67 : i32 to index
      %get3A_69 = tpu.vector_load %arg12[%get3A_68] {strides = array<i32>} : memref<20000xf32, #tpu.memory_space<vmem>>, vector<16xf32>,
      %get3A_70 = vector.shape_cast %get3A_69 : vector<16xf32> to vector<16xf32>
      %div3A_71 = arith.constant 1.000000e+00 : f32
      %div3A_72 = vector.broadcast %div3A_71 : f32 to vector<16xf32>
      %div3A_73 = arith.divf %div3A_72, %get3A_70 : vector<16xf32>
      %swap3A_74 = arith.index_cast %add3A_67 : i32 to index
      %swap3A_75 = tpu.vector_load %arg12[%swap3A_74] {strides = array<i32>} : memref<20000xf32, #tpu.memory_space<vmem>>, vector<16xf32>,
      %swap3A_76 = vector.shape_cast %swap3A_75 : vector<16xf32> to vector<16xf32>
      %swap3A_77 = vector.shape_cast %div3A_73 : vector<16xf32> to vector<16xf32>
      tpu.vector_store %arg12[%swap3A_74], %swap3A_77 {strides = array<i32>} : memref<20000xf32, #tpu.memory_space<vmem>>, vector<16xf32>,
      %mul3A_78 = arith.constant 160 : i32
      %mul3A_79 = arith.muli %scan3A_25, %mul3A_78 : i32
      %add3A_80 = arith.constant 64 : i32
      %add3A_81 = arith.addi %mul3A_79, %add3A_80 : i32
      %get3A_82 = arith.index_cast %add3A_81 : i32 to index
      %get3A_83 = tpu.vector_load %arg12[%get3A_82] {strides = array<i32>} : memref<20000xf32, #tpu.memory_space<vmem>>, vector<16xf32>,
      %get3A_84 = vector.shape_cast %get3A_83 : vector<16xf32> to vector<16xf32>
      %div3A_85 = arith.constant 1.000000e+00 : f32
      %div3A_86 = vector.broadcast %div3A_85 : f32 to vector<16xf32>
      %div3A_87 = arith.divf %div3A_86, %get3A_84 : vector<16xf32>
      %swap3A_88 = arith.index_cast %add3A_81 : i32 to index
      %swap3A_89 = tpu.vector_load %arg12[%swap3A_88] {strides = array<i32>} : memref<20000xf32, #tpu.memory_space<vmem>>, vector<16xf32>,
      %swap3A_90 = vector.shape_cast %swap3A_89 : vector<16xf32> to vector<16xf32>
      %swap3A_91 = vector.shape_cast %div3A_87 : vector<16xf32> to vector<16xf32>
      tpu.vector_store %arg12[%swap3A_88], %swap3A_91 {strides = array<i32>} : memref<20000xf32, #tpu.memory_space<vmem>>, vector<16xf32>,
      %mul3A_92 = arith.constant 160 : i32
      %mul3A_93 = arith.muli %scan3A_25, %mul3A_92 : i32
      %add3A_94 = arith.constant 80 : i32
      %add3A_95 = arith.addi %mul3A_93, %add3A_94 : i32
      %get3A_96 = arith.index_cast %add3A_95 : i32 to index
      %get3A_97 = tpu.vector_load %arg12[%get3A_96] {strides = array<i32>} : memref<20000xf32, #tpu.memory_space<vmem>>, vector<16xf32>,
      %get3A_98 = vector.shape_cast %get3A_97 : vector<16xf32> to vector<16xf32>
      %div3A_99 = arith.constant 1.000000e+00 : f32
      %div3A_100 = vector.broadcast %div3A_99 : f32 to vector<16xf32>
      %div3A_101 = arith.divf %div3A_100, %get3A_98 : vector<16xf32>
      %swap3A_102 = arith.index_cast %add3A_95 : i32 to index
      %swap3A_103 = tpu.vector_load %arg12[%swap3A_102] {strides = array<i32>} : memref<20000xf32, #tpu.memory_space<vmem>>, vector<16xf32>,
      %swap3A_104 = vector.shape_cast %swap3A_103 : vector<16xf32> to vector<16xf32>
      %swap3A_105 = vector.shape_cast %div3A_101 : vector<16xf32> to vector<16xf32>
      tpu.vector_store %arg12[%swap3A_102], %swap3A_105 {strides = array<i32>} : memref<20000xf32, #tpu.memory_space<vmem>>, vector<16xf32>,
      %mul3A_106 = arith.constant 160 : i32
      %mul3A_107 = arith.muli %scan3A_25, %mul3A_106 : i32
      %add3A_108 = arith.constant 96 : i32
      %add3A_109 = arith.addi %mul3A_107, %add3A_108 : i32
      %get3A_110 = arith.index_cast %add3A_109 : i32 to index
      %get3A_111 = tpu.vector_load %arg12[%get3A_110] {strides = array<i32>} : memref<20000xf32, #tpu.memory_space<vmem>>, vector<16xf32>,
      %get3A_112 = vector.shape_cast %get3A_111 : vector<16xf32> to vector<16xf32>
      %div3A_113 = arith.constant 1.000000e+00 : f32
      %div3A_114 = vector.broadcast %div3A_113 : f32 to vector<16xf32>
      %div3A_115 = arith.divf %div3A_114, %get3A_112 : vector<16xf32>
      %swap3A_116 = arith.index_cast %add3A_109 : i32 to index
      %swap3A_117 = tpu.vector_load %arg12[%swap3A_116] {strides = array<i32>} : memref<20000xf32, #tpu.memory_space<vmem>>, vector<16xf32>,
      %swap3A_118 = vector.shape_cast %swap3A_117 : vector<16xf32> to vector<16xf32>
      %swap3A_119 = vector.shape_cast %div3A_115 : vector<16xf32> to vector<16xf32>
      tpu.vector_store %arg12[%swap3A_116], %swap3A_119 {strides = array<i32>} : memref<20000xf32, #tpu.memory_space<vmem>>, vector<16xf32>,
      %mul3A_120 = arith.constant 160 : i32
      %mul3A_121 = arith.muli %scan3A_25, %mul3A_120 : i32
      %add3A_122 = arith.constant 112 : i32
      %add3A_123 = arith.addi %mul3A_121, %add3A_122 : i32
      %get3A_124 = arith.index_cast %add3A_123 : i32 to index
      %get3A_125 = tpu.vector_load %arg12[%get3A_124] {strides = array<i32>} : memref<20000xf32, #tpu.memory_space<vmem>>, vector<16xf32>,
      %get3A_126 = vector.shape_cast %get3A_125 : vector<16xf32> to vector<16xf32>
      %div3A_127 = arith.constant 1.000000e+00 : f32
      %div3A_128 = vector.broadcast %div3A_127 : f32 to vector<16xf32>
      %div3A_129 = arith.divf %div3A_128, %get3A_126 : vector<16xf32>
      %swap3A_130 = arith.index_cast %add3A_123 : i32 to index
      %swap3A_131 = tpu.vector_load %arg12[%swap3A_130] {strides = array<i32>} : memref<20000xf32, #tpu.memory_space<vmem>>, vector<16xf32>,
      %swap3A_132 = vector.shape_cast %swap3A_131 : vector<16xf32> to vector<16xf32>
      %swap3A_133 = vector.shape_cast %div3A_129 : vector<16xf32> to vector<16xf32>
      tpu.vector_store %arg12[%swap3A_130], %swap3A_133 {strides = array<i32>} : memref<20000xf32, #tpu.memory_space<vmem>>, vector<16xf32>,
      %mul3A_134 = arith.constant 160 : i32
      %mul3A_135 = arith.muli %scan3A_25, %mul3A_134 : i32
      %add3A_136 = arith.constant 128 : i32
      %add3A_137 = arith.addi %mul3A_135, %add3A_136 : i32
      %get3A_138 = arith.index_cast %add3A_137 : i32 to index
      %get3A_139 = tpu.vector_load %arg12[%get3A_138] {strides = array<i32>} : memref<20000xf32, #tpu.memory_space<vmem>>, vector<16xf32>,
      %get3A_140 = vector.shape_cast %get3A_139 : vector<16xf32> to vector<16xf32>
      %div3A_141 = arith.constant 1.000000e+00 : f32
      %div3A_142 = vector.broadcast %div3A_141 : f32 to vector<16xf32>
      %div3A_143 = arith.divf %div3A_142, %get3A_140 : vector<16xf32>
      %swap3A_144 = arith.index_cast %add3A_137 : i32 to index
      %swap3A_145 = tpu.vector_load %arg12[%swap3A_144] {strides = array<i32>} : memref<20000xf32, #tpu.memory_space<vmem>>, vector<16xf32>,
      %swap3A_146 = vector.shape_cast %swap3A_145 : vector<16xf32> to vector<16xf32>
      %swap3A_147 = vector.shape_cast %div3A_143 : vector<16xf32> to vector<16xf32>
      tpu.vector_store %arg12[%swap3A_144], %swap3A_147 {strides = array<i32>} : memref<20000xf32, #tpu.memory_space<vmem>>, vector<16xf32>,
      %mul3A_148 = arith.constant 160 : i32
      %mul3A_149 = arith.muli %scan3A_25, %mul3A_148 : i32
      %add3A_150 = arith.constant 144 : i32
      %add3A_151 = arith.addi %mul3A_149, %add3A_150 : i32
      %get3A_152 = arith.index_cast %add3A_151 : i32 to index
      %get3A_153 = tpu.vector_load %arg12[%get3A_152] {strides = array<i32>} : memref<20000xf32, #tpu.memory_space<vmem>>, vector<16xf32>,
      %get3A_154 = vector.shape_cast %get3A_153 : vector<16xf32> to vector<16xf32>
      %div3A_155 = arith.constant 1.000000e+00 : f32
      %div3A_156 = vector.broadcast %div3A_155 : f32 to vector<16xf32>
      %div3A_157 = arith.divf %div3A_156, %get3A_154 : vector<16xf32>
      %swap3A_158 = arith.index_cast %add3A_151 : i32 to index
      %swap3A_159 = tpu.vector_load %arg12[%swap3A_158] {strides = array<i32>} : memref<20000xf32, #tpu.memory_space<vmem>>, vector<16xf32>,
      %swap3A_160 = vector.shape_cast %swap3A_159 : vector<16xf32> to vector<16xf32>
      %swap3A_161 = vector.shape_cast %div3A_157 : vector<16xf32> to vector<16xf32>
      tpu.vector_store %arg12[%swap3A_158], %swap3A_161 {strides = array<i32>} : memref<20000xf32, #tpu.memory_space<vmem>>, vector<16xf32>,
    }
    %scan3A_18 = arith.constant 125 : i32
    "tpu.region"() ({
      %run_scoped3A = tpu.sem_alloc : memref<!tpu.dma_semaphore, #tpu.memory_space<semaphore_mem>>
      %dma_start3A = arith.constant 0 : i32
      %dma_start3A_25 = tpu.memref_slice %arg14[%dma_start3A] : memref<10240xf32, #tpu.memory_space<vmem_shared>> -> memref<10240xf32, #tpu.memory_space<vmem_shared>>
      tpu.enqueue_indirect_dma source(%arg12 : memref<20000xf32, #tpu.memory_space<vmem>>) target(%dma_start3A_25 : memref<10240xf32, #tpu.memory_space<vmem_shared>>) offsets(%arg10 : memref<20000xi32, #tpu.memory_space<vmem>>) semaphore(%run_scoped3A : memref<!tpu.dma_semaphore, #tpu.memory_space<semaphore_mem>>) {add = true}
      %dma_wait3A = arith.constant 0 : i32
      %dma_wait3A_26 = tpu.memref_slice %arg14[%dma_wait3A] : memref<10240xf32, #tpu.memory_space<vmem_shared>> -> memref<10240xf32, #tpu.memory_space<vmem_shared>>
      tpu.wait_indirect_dma semaphore(%run_scoped3A : memref<!tpu.dma_semaphore, #tpu.memory_space<semaphore_mem>>) src(%arg12 : memref<20000xf32, #tpu.memory_space<vmem>>) dst(%dma_wait3A_26 : memref<10240xf32, #tpu.memory_space<vmem_shared>>)
      tpu.yield
    }) : () -> ()
    %barrier3A_19 = arith.constant 0 : index
    tpu.barrier barrier_id(%barrier3A_19)
    %eq3A_20 = arith.constant 0 : i32
    %eq3A_21 = arith.cmpi eq, %arg1, %eq3A_20 : i32
    %convert_element_type3A_22 = arith.extui %eq3A_21 : i1 to i32
    %cond3A_23 = arith.constant 0 : i32
    %cond3A_24 = arith.cmpi ne, %convert_element_type3A_22, %cond3A_23 : i32
    scf.if %cond3A_24 {
      "tpu.region"() ({
        %run_scoped3A = tpu.sem_alloc : memref<!tpu.dma_semaphore, #tpu.memory_space<semaphore_mem>>
        %dma_start3A = arith.constant 0 : i32
        %dma_start3A_25 = tpu.memref_slice %arg8[%arg0, %dma_start3A] : memref<2x10240xf32, #tpu.memory_space<hbm>> -> memref<1x10240xf32, #tpu.memory_space<hbm>>
        %dma_start3A_26 = tpu.memref_squeeze %dma_start3A_25 : memref<1x10240xf32, #tpu.memory_space<hbm>> -> memref<10240xf32, #tpu.memory_space<hbm>>
        tpu.enqueue_dma source(%arg14 : memref<10240xf32, #tpu.memory_space<vmem_shared>>) target(%dma_start3A_26 : memref<10240xf32, #tpu.memory_space<hbm>>) target_semaphore(%run_scoped3A : memref<!tpu.dma_semaphore, #tpu.memory_space<semaphore_mem>>)
        %dma_wait3A = arith.constant 0 : i32
        %dma_wait3A_27 = tpu.memref_slice %arg8[%arg0, %dma_wait3A] : memref<2x10240xf32, #tpu.memory_space<hbm>> -> memref<1x10240xf32, #tpu.memory_space<hbm>>
        %dma_wait3A_28 = tpu.memref_squeeze %dma_wait3A_27 : memref<1x10240xf32, #tpu.memory_space<hbm>> -> memref<10240xf32, #tpu.memory_space<hbm>>
        tpu.wait_dma2 semaphore(%run_scoped3A : memref<!tpu.dma_semaphore, #tpu.memory_space<semaphore_mem>>) src(%arg14 : memref<10240xf32, #tpu.memory_space<vmem_shared>>) dst(%dma_wait3A_28 : memref<10240xf32, #tpu.memory_space<hbm>>)
        tpu.yield
      }) : () -> ()
    } else {
    }
    return
  }
}

module attributes {stable_mosaic.version = 14 : i64} {
  func.func @_detile_body(%arg0: i32, %arg1: memref<2x320000xi32, #tpu.memory_space<vmem>>, %arg2: memref<2x320000xi32, #tpu.memory_space<vmem>>, %arg3: memref<320000xi32, #tpu.memory_space<vmem>>, %arg4: memref<320000xi32, #tpu.memory_space<vmem>>, %arg5: memref<320000xi32, #tpu.memory_space<vmem>>, %arg6: memref<320000xi32, #tpu.memory_space<vmem>>) attributes {dimension_semantics = [#tpu.dimension_semantics<arbitrary>], iteration_bounds = array<i64: 1>, scalar_prefetch = 0 : i64, scratch_operands = 0 : i64, tpu.core_type = #tpu.core_type<tc>, window_params = [{transform_indices = @transform_0, window_bounds = array<i64: 2, 320000>}, {transform_indices = @transform_1, window_bounds = array<i64: 2, 320000>}, {transform_indices = @transform_2, window_bounds = array<i64: 320000>}, {transform_indices = @transform_3, window_bounds = array<i64: 320000>}, {transform_indices = @transform_4, window_bounds = array<i64: 320000>}, {transform_indices = @transform_5, window_bounds = array<i64: 320000>}]} {
    %get3A = arith.constant 0 : index
    %get3A_0 = arith.constant 0 : index
    %get3A_1 = vector.load %arg1[%get3A, %get3A_0] : memref<2x320000xi32, #tpu.memory_space<vmem>>, vector<1x320000xi32>
    %get3A_2 = vector.shape_cast %get3A_1 : vector<1x320000xi32> to vector<320000xi32>
    %swap3A = arith.constant 0 : index
    %swap3A_3 = vector.load %arg3[%swap3A] : memref<320000xi32, #tpu.memory_space<vmem>>, vector<320000xi32>
    tpu.vector_store %arg3[%swap3A], %get3A_2 {strides = array<i32>} : memref<320000xi32, #tpu.memory_space<vmem>>, vector<320000xi32>,
    %get3A_4 = arith.constant 1 : index
    %get3A_5 = arith.constant 0 : index
    %get3A_6 = vector.load %arg1[%get3A_4, %get3A_5] : memref<2x320000xi32, #tpu.memory_space<vmem>>, vector<1x320000xi32>
    %get3A_7 = vector.shape_cast %get3A_6 : vector<1x320000xi32> to vector<320000xi32>
    %swap3A_8 = arith.constant 0 : index
    %swap3A_9 = vector.load %arg4[%swap3A_8] : memref<320000xi32, #tpu.memory_space<vmem>>, vector<320000xi32>
    tpu.vector_store %arg4[%swap3A_8], %get3A_7 {strides = array<i32>} : memref<320000xi32, #tpu.memory_space<vmem>>, vector<320000xi32>,
    %get3A_10 = arith.constant 0 : index
    %get3A_11 = arith.constant 0 : index
    %get3A_12 = vector.load %arg2[%get3A_10, %get3A_11] : memref<2x320000xi32, #tpu.memory_space<vmem>>, vector<1x320000xi32>
    %get3A_13 = vector.shape_cast %get3A_12 : vector<1x320000xi32> to vector<320000xi32>
    %swap3A_14 = arith.constant 0 : index
    %swap3A_15 = vector.load %arg5[%swap3A_14] : memref<320000xi32, #tpu.memory_space<vmem>>, vector<320000xi32>
    tpu.vector_store %arg5[%swap3A_14], %get3A_13 {strides = array<i32>} : memref<320000xi32, #tpu.memory_space<vmem>>, vector<320000xi32>,
    %get3A_16 = arith.constant 1 : index
    %get3A_17 = arith.constant 0 : index
    %get3A_18 = vector.load %arg2[%get3A_16, %get3A_17] : memref<2x320000xi32, #tpu.memory_space<vmem>>, vector<1x320000xi32>
    %get3A_19 = vector.shape_cast %get3A_18 : vector<1x320000xi32> to vector<320000xi32>
    %swap3A_20 = arith.constant 0 : index
    %swap3A_21 = vector.load %arg6[%swap3A_20] : memref<320000xi32, #tpu.memory_space<vmem>>, vector<320000xi32>
    tpu.vector_store %arg6[%swap3A_20], %get3A_19 {strides = array<i32>} : memref<320000xi32, #tpu.memory_space<vmem>>, vector<320000xi32>,
    return
  }
  func.func @transform_0(%arg0: i32) -> (i32, i32) {
    %c0_i32 = arith.constant 0 : i32
    %c0_i32_0 = arith.constant 0 : i32
    return %c0_i32, %arg0 : i32, i32
  }
  func.func @transform_1(%arg0: i32) -> (i32, i32) {
    %c0_i32 = arith.constant 0 : i32
    %c0_i32_0 = arith.constant 0 : i32
    return %c0_i32, %arg0 : i32, i32
  }
  func.func @transform_2(%arg0: i32) -> i32 {
    %c0_i32 = arith.constant 0 : i32
    return %arg0 : i32
  }
  func.func @transform_3(%arg0: i32) -> i32 {
    %c0_i32 = arith.constant 0 : i32
    return %arg0 : i32
  }
  func.func @transform_4(%arg0: i32) -> i32 {
    %c0_i32 = arith.constant 0 : i32
    return %arg0 : i32
  }
  func.func @transform_5(%arg0: i32) -> i32 {
    %c0_i32 = arith.constant 0 : i32
    return %arg0 : i32
  }
}

module attributes {stable_mosaic.version = 14 : i64} {
  func.func @_tc_body(%arg0: i32, %arg1: memref<2x10240xf32, #tpu.memory_space<vmem>>, %arg2: memref<10000x128xf32, #tpu.memory_space<vmem>>, %arg3: memref<128x128xf32, #tpu.memory_space<vmem>>, %arg4: memref<128x128xf32, #tpu.memory_space<vmem>>, %arg5: memref<128x128xf32, #tpu.memory_space<vmem>>, %arg6: memref<128x128xf32, #tpu.memory_space<vmem>>, %arg7: memref<1x128xf32, #tpu.memory_space<vmem>>, %arg8: memref<1x128xf32, #tpu.memory_space<vmem>>, %arg9: memref<1x128xf32, #tpu.memory_space<vmem>>) attributes {dimension_semantics = [#tpu.dimension_semantics<arbitrary>], iteration_bounds = array<i64: 1>, scalar_prefetch = 0 : i64, scratch_operands = 0 : i64, tpu.core_type = #tpu.core_type<tc>, window_params = [{pipeline_mode = #tpu.pipeline_mode<synchronous>, transform_indices = @transform_0, window_bounds = array<i64: 2, 10240>}, {pipeline_mode = #tpu.pipeline_mode<synchronous>, transform_indices = @transform_1, window_bounds = array<i64: 10000, 128>}, {pipeline_mode = #tpu.pipeline_mode<synchronous>, transform_indices = @transform_2, window_bounds = array<i64: 128, 128>}, {pipeline_mode = #tpu.pipeline_mode<synchronous>, transform_indices = @transform_3, window_bounds = array<i64: 128, 128>}, {pipeline_mode = #tpu.pipeline_mode<synchronous>, transform_indices = @transform_4, window_bounds = array<i64: 128, 128>}, {pipeline_mode = #tpu.pipeline_mode<synchronous>, transform_indices = @transform_5, window_bounds = array<i64: 128, 128>}, {pipeline_mode = #tpu.pipeline_mode<synchronous>, transform_indices = @transform_6, window_bounds = array<i64: 1, 128>}, {pipeline_mode = #tpu.pipeline_mode<synchronous>, transform_indices = @transform_7, window_bounds = array<i64: 1, 128>}, {pipeline_mode = #tpu.pipeline_mode<synchronous>, transform_indices = @transform_8, window_bounds = array<i64: 1, 128>}]} {
    %get3A = arith.constant 0 : index
    %get3A_0 = arith.constant 0 : index
    %get3A_1 = vector.load %arg1[%get3A, %get3A_0] : memref<2x10240xf32, #tpu.memory_space<vmem>>, vector<2x10240xf32>
    %slice3A = vector.extract_strided_slice %get3A_1 {offsets = [0, 0], sizes = [2, 10000], strides = [1, 1]} : vector<2x10240xf32> to vector<2x10000xf32>
    %broadcast_in_dim3A = arith.constant 1.000000e+00 : f32
    %broadcast_in_dim3A_2 = vector.broadcast %broadcast_in_dim3A : f32 to vector<1x10000xf32>
    %concatenate3A = tpu.concatenate %slice3A, %broadcast_in_dim3A_2 in 0 : vector<2x10000xf32>, vector<1x10000xf32> -> vector<3x10000xf32>
    %get3A_3 = arith.constant 0 : index
    %get3A_4 = arith.constant 0 : index
    %get3A_5 = vector.load %arg2[%get3A_3, %get3A_4] : memref<10000x128xf32, #tpu.memory_space<vmem>>, vector<10000x128xf32>
    %dot_general3A = arith.constant dense<0.000000e+00> : vector<3x128xf32>
    %dot_general3A_6 = tpu.matmul %concatenate3A, %get3A_5, %dot_general3A {dimension_numbers = #tpu.dot_dimension_numbers<[1], [0], [0], [1], [0, 0, 1, 1], [], []>, transpose_lhs_hint = false} : vector<3x10000xf32>, vector<10000x128xf32>, vector<3x128xf32> -> vector<3x128xf32>
    %slice3A_7 = vector.extract_strided_slice %dot_general3A_6 {offsets = [0, 0], sizes = [1, 128], strides = [1, 1]} : vector<3x128xf32> to vector<1x128xf32>
    %slice3A_8 = vector.extract_strided_slice %dot_general3A_6 {offsets = [1, 0], sizes = [1, 128], strides = [1, 1]} : vector<3x128xf32> to vector<1x128xf32>
    %slice3A_9 = vector.extract_strided_slice %dot_general3A_6 {offsets = [2, 0], sizes = [1, 128], strides = [1, 1]} : vector<3x128xf32> to vector<1x128xf32>
    %get3A_10 = arith.constant 0 : index
    %get3A_11 = arith.constant 0 : index
    %get3A_12 = vector.load %arg3[%get3A_10, %get3A_11] : memref<128x128xf32, #tpu.memory_space<vmem>>, vector<128x128xf32>
    %dot_general3A_13 = arith.constant dense<0.000000e+00> : vector<1x128xf32>
    %dot_general3A_14 = tpu.matmul %slice3A_7, %get3A_12, %dot_general3A_13 {dimension_numbers = #tpu.dot_dimension_numbers<[1], [1], [0], [0], [0, 0, 1, 0], [], []>, transpose_lhs_hint = false} : vector<1x128xf32>, vector<128x128xf32>, vector<1x128xf32> -> vector<1x128xf32>
    %get3A_15 = arith.constant 0 : index
    %get3A_16 = arith.constant 0 : index
    %get3A_17 = vector.load %arg4[%get3A_15, %get3A_16] : memref<128x128xf32, #tpu.memory_space<vmem>>, vector<128x128xf32>
    %dot_general3A_18 = arith.constant dense<0.000000e+00> : vector<1x128xf32>
    %dot_general3A_19 = tpu.matmul %slice3A_8, %get3A_17, %dot_general3A_18 {dimension_numbers = #tpu.dot_dimension_numbers<[1], [1], [0], [0], [0, 0, 1, 0], [], []>, transpose_lhs_hint = false} : vector<1x128xf32>, vector<128x128xf32>, vector<1x128xf32> -> vector<1x128xf32>
    %add3A = arith.addf %dot_general3A_14, %dot_general3A_19 : vector<1x128xf32>
    %get3A_20 = arith.constant 0 : index
    %get3A_21 = arith.constant 0 : index
    %get3A_22 = vector.load %arg5[%get3A_20, %get3A_21] : memref<128x128xf32, #tpu.memory_space<vmem>>, vector<128x128xf32>
    %dot_general3A_23 = arith.constant dense<0.000000e+00> : vector<1x128xf32>
    %dot_general3A_24 = tpu.matmul %slice3A_9, %get3A_22, %dot_general3A_23 {dimension_numbers = #tpu.dot_dimension_numbers<[1], [1], [0], [0], [0, 0, 1, 0], [], []>, transpose_lhs_hint = false} : vector<1x128xf32>, vector<128x128xf32>, vector<1x128xf32> -> vector<1x128xf32>
    %add3A_25 = arith.addf %add3A, %dot_general3A_24 : vector<1x128xf32>
    %get3A_26 = arith.constant 0 : index
    %get3A_27 = arith.constant 0 : index
    %get3A_28 = vector.load %arg6[%get3A_26, %get3A_27] : memref<128x128xf32, #tpu.memory_space<vmem>>, vector<128x128xf32>
    %dot_general3A_29 = arith.constant dense<0.000000e+00> : vector<1x128xf32>
    %dot_general3A_30 = tpu.matmul %slice3A_9, %get3A_28, %dot_general3A_29 {dimension_numbers = #tpu.dot_dimension_numbers<[1], [1], [0], [0], [0, 0, 1, 0], [], []>, transpose_lhs_hint = false} : vector<1x128xf32>, vector<128x128xf32>, vector<1x128xf32> -> vector<1x128xf32>
    %add3A_31 = arith.addf %add3A_25, %dot_general3A_30 : vector<1x128xf32>
    %mul3A = arith.constant 9.99999974E-5 : f32
    %mul3A_32 = vector.broadcast %mul3A : f32 to vector<1x128xf32>
    %mul3A_33 = arith.mulf %add3A_31, %mul3A_32 : vector<1x128xf32>
    %get3A_34 = arith.constant 0 : index
    %get3A_35 = arith.constant 0 : index
    %get3A_36 = vector.load %arg7[%get3A_34, %get3A_35] : memref<1x128xf32, #tpu.memory_space<vmem>>, vector<1x128xf32>
    %add3A_37 = arith.addf %mul3A_33, %get3A_36 : vector<1x128xf32>
    %get3A_38 = arith.constant 0 : index
    %get3A_39 = arith.constant 0 : index
    %get3A_40 = vector.load %arg8[%get3A_38, %get3A_39] : memref<1x128xf32, #tpu.memory_space<vmem>>, vector<1x128xf32>
    %add3A_41 = arith.addf %add3A_37, %get3A_40 : vector<1x128xf32>
    %swap3A = arith.constant 0 : index
    %swap3A_42 = arith.constant 0 : index
    %swap3A_43 = vector.load %arg9[%swap3A, %swap3A_42] : memref<1x128xf32, #tpu.memory_space<vmem>>, vector<1x128xf32>
    tpu.vector_store %arg9[%swap3A, %swap3A_42], %add3A_41 {strides = array<i32>} : memref<1x128xf32, #tpu.memory_space<vmem>>, vector<1x128xf32>,
    return
  }
  func.func @transform_0(%arg0: i32) -> (i32, i32) {
    %c0_i32 = arith.constant 0 : i32
    %c0_i32_0 = arith.constant 0 : i32
    %c0_i32_1 = arith.constant 0 : i32
    return %c0_i32, %c0_i32_0 : i32, i32
  }
  func.func @transform_1(%arg0: i32) -> (i32, i32) {
    %c0_i32 = arith.constant 0 : i32
    %c0_i32_0 = arith.constant 0 : i32
    %c0_i32_1 = arith.constant 0 : i32
    return %c0_i32, %c0_i32_0 : i32, i32
  }
  func.func @transform_2(%arg0: i32) -> (i32, i32) {
    %c0_i32 = arith.constant 0 : i32
    %c0_i32_0 = arith.constant 0 : i32
    %c0_i32_1 = arith.constant 0 : i32
    return %c0_i32, %c0_i32_0 : i32, i32
  }
  func.func @transform_3(%arg0: i32) -> (i32, i32) {
    %c0_i32 = arith.constant 0 : i32
    %c0_i32_0 = arith.constant 0 : i32
    %c0_i32_1 = arith.constant 0 : i32
    return %c0_i32, %c0_i32_0 : i32, i32
  }
  func.func @transform_4(%arg0: i32) -> (i32, i32) {
    %c0_i32 = arith.constant 0 : i32
    %c0_i32_0 = arith.constant 0 : i32
    %c0_i32_1 = arith.constant 0 : i32
    return %c0_i32, %c0_i32_0 : i32, i32
  }
  func.func @transform_5(%arg0: i32) -> (i32, i32) {
    %c0_i32 = arith.constant 0 : i32
    %c0_i32_0 = arith.constant 0 : i32
    %c0_i32_1 = arith.constant 0 : i32
    return %c0_i32, %c0_i32_0 : i32, i32
  }
  func.func @transform_6(%arg0: i32) -> (i32, i32) {
    %c0_i32 = arith.constant 0 : i32
    %c0_i32_0 = arith.constant 0 : i32
    %c0_i32_1 = arith.constant 0 : i32
    return %c0_i32, %c0_i32_0 : i32, i32
  }
  func.func @transform_7(%arg0: i32) -> (i32, i32) {
    %c0_i32 = arith.constant 0 : i32
    %c0_i32_0 = arith.constant 0 : i32
    %c0_i32_1 = arith.constant 0 : i32
    return %c0_i32, %c0_i32_0 : i32, i32
  }
  func.func @transform_8(%arg0: i32) -> (i32, i32) {
    %c0_i32 = arith.constant 0 : i32
    %c0_i32_0 = arith.constant 0 : i32
    %c0_i32_1 = arith.constant 0 : i32
    return %c0_i32, %c0_i32_0 : i32, i32
  }
}

</mosaic_0001>

<sc_bundles>
// kernel: kernel.5.cloned.1.call-start
scs
__scs_entry_jumppad:
0x0: {  	(pc) =	sbr.rel $0x88, $3  }
0x1: {  	(tag) =	ssettag $0x0;
	lr =	simm.s32 $0x1  }
0x2: {  	[smem:$0x3F98] =	sst lr;
	_ =	strace $0xD0000000  }
0x3: {  	_ = 	snop  }
0x4: {  	_ = 	snop  }
0x5: {  	_ = 	snop  }
0x6: {  	_ = 	snop  }
0x7: {  	_ = 	snop  }
__scs_overlays_trampoline_lowered:
0x8: {  	[smem:$0x3FA7] =	sst s0  }
0x9: {  	[smem:$0x3FA8] =	sst s1  }
0xa: {  	[smem:$0x3FA9] =	sst s2  }
0xb: {  	[smem:$0x3FAA] =	sst s3  }
0xc: {  	[smem:$0x3FAB] =	sst s4  }
0xd: {  	[smem:$0x3FAC] =	sst s5  }
0xe: {  	[smem:$0x3FAD] =	sst s6  }
0xf: {  	[smem:$0x3FAE] =	sst s7  }
0x10: {  	[smem:$0x3FAF] =	sst s8  }
0x11: {  	[smem:$0x3FB0] =	sst s9;
	s0 =	simm.s32 @!p0 $0x0  }
0x12: {  	s1 =	sld [smem:$0x3F96];
	s0 =	simm.s32 @p0 $0x1  }
0x13: {  	[smem:$0x3FB1] =	sst s0;
	s0 =	simm.s32 @!p1 $0x0  }
0x14: {  	s2 =	sld [smem:$0x3F95];
	s0 =	simm.s32 @p1 $0x1  }
0x15: {  	[smem:$0x3FB2] =	sst s0;
	s0 =	simm.s32 @!p2 $0x0  }
0x16: {  	s3 =	sld [smem:$0x3FDB];
	s0 =	simm.s32 @p2 $0x1  }
0x17: {  	s4 =	simm.s32 $0x1BF5;
	[smem:$0x3FB4] =	sst s0  }
0x18: {  	s0 =	sld [smem:$0x3F97];
	_ =	swait.ge [sflag:s4], $0x0  }
0x19: {  	s7 =	sld [smem:$0x3F98]  }
0x1a: {  	s8 =	sadd.s32 $0xFFFFE003, lr  }
0x1b: {  	s9 =	sadd.s32 $0xFFFFFEF7, lr;
	s5 =	simm.s32 $0xFFFFFFFF;
	p2 =	slt.u32 s8, $0xFFFFF086  }
0x1c: {  	p1 =	slt.u32 s9, $0xF7A;
	s5 =	simm.s32 @!p2 $0x0  }
0x1d: {  	s5 =	simm.s32 @p1 $0x1;
	p0 =	seq.s32 s7, s2  }
0x1e: {  	s7 =	smul.u32 @!p0 $0xF7A, s2;
	p2 =	seq.s32 @!p0 s5, $0x0  }
0x1f: {  	s9 =	smul.u32 $0xF7A, s1;
	s8 =	simm.s32 @!p0 $0x1BF5;
	p2 =	por !p2, p0  }
0x20: {  	[sflag:s8] =	ssyncset.s32 @!p0 $0xFFFFF086;
	s6 =	sadd.s32 @!p0 s3, s7;
	s7 =	simm.s32 @!p0 $0x108  }
0x21: {  	s3 =	sadd.s32 s3, s9;
	s6 =	sadd.s32 @!p0 $0x88, s6;
	s7 =	simm.s32 @p2 $0x1082  }
0x22: {  	[simem:s7], [sflag:s8] =	dma.local @!p0 [hbm:s6], $0xF7A  }
0x23: {  	s9 =	sor.u32 $0xD0000000, s2;
	s6 =	simm.s32 $0x108;
	_ =	swait.ge @!p0 [sflag:s8], $0x0  }
0x24: {  	s3 =	sadd.s32 $0x88, s3;
	s6 =	simm.s32 @!p1 $0x1082;
	[sflag:s4] =	ssyncset.s32 $0xFFFFF086  }
0x25: {  	[simem:s6], [sflag:s4] =	dma.local [hbm:s3], $0xF7A  }
0x26: {  	[smem:$0x3F98] =	sst s1;
	(tag) =	ssettag s2;
	_ =	strace s9  }
0x27: {  	s1 =	sld [smem:$0x3FA8]  }
0x28: {  	s2 =	sld [smem:$0x3FA9]  }
0x29: {  	s4 =	sld [smem:$0x3FAB]  }
0x2a: {  	p0 =	seq.s32 s5, $0x0;
	s5 =	sld [smem:$0x3FAC]  }
0x2b: {  	s6 =	sld [smem:$0x3FAD]  }
0x2c: {  	s7 =	sld [smem:$0x3FAE]  }
0x2d: {  	s3 =	simm.s32 $0x108;
	s8 =	sld [smem:$0x3FAF]  }
0x2e: {  	s3 =	simm.s32 @!p0 $0x1082;
	s9 =	sld [smem:$0x3FB0]  }
0x2f: {  	lr =	sadd.s32 s0, s3;
	s0 =	sld [smem:$0x3FA7]  }
0x30: {  	s3 =	sld [smem:$0x3FAA]  }
0x31: {  	[smem:$0x3FB3] =	sst s10  }
0x32: {  	s10 =	sld [smem:$0x3FB1];
	_ =	sdelay $0x3  }
0x33: {  	p0 =	seq.s32 s10, $0x1;
	s10 =	sld [smem:$0x3FB3];
	_ =	sdelay $0x3  }
0x34: {  	[smem:$0x3FB3] =	sst s10  }
0x35: {  	s10 =	sld [smem:$0x3FB2];
	_ =	sdelay $0x3  }
0x36: {  	p1 =	seq.s32 s10, $0x1;
	s10 =	sld [smem:$0x3FB3];
	_ =	sdelay $0x3  }
0x37: {  	[smem:$0x3FB3] =	sst s10  }
0x38: {  	s10 =	sld [smem:$0x3FB4]  }
0x39: {  	_ = 	snop;
	(pc) =	sbr.ind lr, $3  }
0x3a: {  	_ = 	snop  }
0x3b: {  	_ = 	snop  }
0x3c: {  	p2 =	seq.s32 s10, $0x1;
	s10 =	sld [smem:$0x3FB3]  }
0x3d: {  	_ =	shalt  }
0x3e: {  	_ =	shalt  }
0x3f: {  	_ =	shalt  }
0x40: {  	_ =	shalt  }
0x41: {  	_ =	shalt  }
0x42: {  	_ =	shalt  }
0x43: {  	_ =	shalt  }
0x44: {  	_ =	shalt  }
0x45: {  	_ =	shalt  }
0x46: {  	_ =	shalt  }
0x47: {  	_ =	shalt  }
0x48: {  	_ =	shalt  }
0x49: {  	_ =	shalt  }
0x4a: {  	_ =	shalt  }
0x4b: {  	_ =	shalt  }
0x4c: {  	_ =	shalt  }
0x4d: {  	_ =	shalt  }
0x4e: {  	_ =	shalt  }
0x4f: {  	_ =	shalt  }
0x50: {  	_ =	shalt  }
0x51: {  	_ =	shalt  }
0x52: {  	_ =	shalt  }
0x53: {  	_ =	shalt  }
0x54: {  	_ =	shalt  }
0x55: {  	_ =	shalt  }
0x56: {  	_ =	shalt  }
0x57: {  	_ =	shalt  }
0x58: {  	_ =	shalt  }
0x59: {  	_ =	shalt  }
0x5a: {  	_ =	shalt  }
0x5b: {  	_ =	shalt  }
0x5c: {  	_ =	shalt  }
0x5d: {  	_ =	shalt  }
0x5e: {  	_ =	shalt  }
0x5f: {  	_ =	shalt  }
0x60: {  	_ =	shalt  }
0x61: {  	_ =	shalt  }
0x62: {  	_ =	shalt  }
0x63: {  	_ =	shalt  }
0x64: {  	_ =	shalt  }
0x65: {  	_ =	shalt  }
0x66: {  	_ =	shalt  }
0x67: {  	_ =	shalt  }
0x68: {  	_ =	shalt  }
0x69: {  	_ =	shalt  }
0x6a: {  	_ =	shalt  }
0x6b: {  	_ =	shalt  }
0x6c: {  	_ =	shalt  }
0x6d: {  	_ =	shalt  }
0x6e: {  	_ =	shalt  }
0x6f: {  	_ =	shalt  }
0x70: {  	_ =	shalt  }
0x71: {  	_ =	shalt  }
0x72: {  	_ =	shalt  }
0x73: {  	_ =	shalt  }
0x74: {  	_ =	shalt  }
0x75: {  	_ =	shalt  }
0x76: {  	_ =	shalt  }
0x77: {  	_ =	shalt  }
0x78: {  	_ =	shalt  }
0x79: {  	_ =	shalt  }
0x7a: {  	_ =	shalt  }
0x7b: {  	_ =	shalt  }
0x7c: {  	_ =	shalt  }
0x7d: {  	_ =	shalt  }
0x7e: {  	_ =	shalt  }
0x7f: {  	_ =	shalt  }
0x80: {  	_ =	shalt  }
0x81: {  	_ =	shalt  }
0x82: {  	_ =	shalt  }
0x83: {  	_ =	shalt  }
0x84: {  	_ =	shalt  }
0x85: {  	_ =	shalt  }
0x86: {  	_ =	shalt  }
0x87: {  	_ =	shalt  }
.Lfunc_end0:
.L_simem_size_0:
called_computation_lowered:
.L_overlay_start_0:
0x88: {  	s2 =	sld [smem:$0x3FD9]  }
0x89: {  	s3 =	sld [smem:$0x3FFE];
	_ =	sdelay $0x1  }
0x8a: {  	s1 =	srdreg.scid  }
0x8b: {  	s0 =	sand.u32 $0x1, s1  }
0x8c: {  	s16 =	sshll.u32 s0, $0xA;
	s2 =	sadd.s32 s3, s2  }
0x8d: {  	s2 =	sadd.s32 s2, s16  }
0x8e: {  	[smem:$0x3FBF] =	sst s2  }
0x8f: {  	_ = 	snop  }
0x90: {  	(tm) =	ssettm $0x1  }
0x91: {  	s17 =	sld [smem:$0x3FFB];
	_ =	sdelay $0x3  }
0x92: {  	_ =	strace s17  }
0x93: {  	s2 =	sld [smem:$0x3FFC];
	_ =	sdelay $0x3  }
0x94: {  	_ =	strace s2  }
0x95: {  	s2 =	sld [smem:$0x3FFD];
	_ =	sdelay $0x3  }
0x96: {  	_ =	strace s2  }
0x97: {  	_ =	strace $0x8FFFFFFF  }
0x98: {  	s18 =	sld [smem:$0x3FDB];
	_ =	sdelay $0x1  }
0x99: {  	s19 =	simm.s32 $_scs_section_size  }
0x9a: {  	s4 =	simm.s32 $_size__tile_overlayer_lowered;
	s5 =	simm.s32 $_tile_overlayer_lowered  }
0x9b: {  	s22 =	simm.s32 $0x1BFF;
	s21 =	sshll.u32 s5, $0x1;
	s2 =	sadd.s32 s19, s18  }
0x9c: {  	s6 =	simm.s32 $0x0;
	s20 =	sshll.u32 s4, $0x1;
	s4 =	sadd.s32 s21, s2  }
0x9d: {  	[timem:s6], [sflag:s22] =	dma.local [hbm:s4], s20  }
0x9e: {  	_ =	swait.ge [sflag:s22], s20  }
0x9f: {  	s3 =	ssub.s32 $0x0, s20;
	[sflag:s22] =	ssyncset.done $0x0  }
0xa0: {  	[sflag:s22] =	ssyncadd.s32 s3;
	_ =	sdelay $0x1  }
0xa1: {  	s23 =	simm.s32 $0x1B8B  }
0xa2: {  	_ =	swait.ge [sflag:s23], $0x1  }
0xa3: {  	[sflag:s23] =	ssyncset.done $0x0  }
0xa4: {  	s25 =	simm.s32 $0x1B8E;
	s24 =	sld [smem:$0x3FFE];
	[sflag:s23] =	ssyncadd.s32 $0xFFFFFFFF  }
0xa5: {  	s26 =	simm.s32 $execute0_lowered;
	[smem:$0x3FD2] =	sst s25  }
0xa6: {  	s4 =	sshll.u32 s26, $0x1;
	_ =	strace $0x80000046;
	[dreg:$0x1] =	wrdreg $0xFFFFFFFF  }
0xa7: {  	s28 =	simm.s32 $_size_execute0_lowered;
	s2 =	sadd.s32 s2, s4;
	[dreg:$0x0] =	wrdreg $0x0  }
0xa8: {  	s4 =	sshll.u32 s28, $0x1;
	[dreg:$0x2] =	wrdreg s2  }
0xa9: {  	[dreg:$0x3] =	wrdreg s4  }
0xaa: {  	[dreg:$0x4] =	wrdreg $0xC0  }
0xab: {  	_ =	task [dreg:s6], $0x5FFFF  }
0xac: {  	[dreg:$0x1] =	wrdreg $0xFFFFFFFF  }
0xad: {  	[dreg:$0x0] =	wrdreg $0x60  }
0xae: {  	[dreg:$0x2] =	wrdreg s24  }
0xaf: {  	[dreg:$0x3] =	wrdreg $0x13A000  }
0xb0: {  	[dreg:$0x4] =	wrdreg $0x13C800  }
0xb1: {  	[dreg:$0x5] =	wrdreg $0x9  }
0xb2: {  	_ =	task.clear_ibuf [dreg:s6], $0x6FFFF;
	_ =	strace $0x90000046  }
0xb3: {  	s29 =	simm.s32 $0x9;
	_ =	strace $0x80000048  }
0xb4: {  	_ =	swait.ge [sflag:s29], $0x1  }
0xb5: {  	[sflag:s29] =	ssyncadd.s32 $0xFFFFFFFF  }
0xb6: {  	_ =	strace $0x90000048  }
0xb7: {  	_ =	sfence  }
0xb8: {  	s30 =	sld [smem:$0x0];
	_ =	sdelay $0x2  }
0xb9: {  	s31 =	sshll.u32 s1, $0xD;
	s1 =	sshrl.u32 s1, $0x2  }
0xba: {  	s3 =	sand.u32 $0x4000, s31;
	s1 =	sadd.s32 s1, s30  }
0xbb: {  	s0 =	sor.u32 s3, s0;
	s1 =	sshll.u32 s1, $0x11  }
0xbc: {  	s0 =	sor.u32 s1, s0  }
0xbd: {  	s0 =	sadd.s32 $0x8F2B, s0  }
0xbe: {  	[sflag:s0] =	ssyncadd.remote.s32 $0x1  }
0xbf: {  	_ =	sfence.sel $0xFFFF  }
0xc0: {  	[dreg:$0x0] =	wrdreg $0xFFFFFFFF;
	(pc) =	sbr.abs _section_cstart, $3  }
0xc1: {  	[dreg:$0x1] =	wrdreg $0xFFFFFFFF  }
0xc2: {  	_ =	task.clear_ibuf [dreg:s6], $0x2FFFF;
	_ =	strace $0x9FFFFFFF  }
0xc3: {  	(tm) =	ssettm $0x7FFFFFFF  }
tec
execute0_lowered:
.L_overlay_start_1:
0x0: {  	(tag) =	ssettag $0x1  }
0x1: {  	s6 =	rddreg [dreg:$0x0]  }
0x2: {  	s1 =	rddreg [dreg:$0x1]  }
0x3: {  	s2 =	rddreg [dreg:$0x2]  }
0x4: {  	s0 =	rddreg [dreg:$0x3];
	s3 =	simm.s32 $0x0  }
0x5: {  	s5 =	srdreg.scid;
	s30 =	stileid.u32;
	s15 =	simm.s32 $0x4E20  }
0x6: {  	s16 =	simm.s32 $0xEB80;
	s17 =	simm.s32 $0x0;
	[smem:$0x7FF] =	sst s3  }
0x7: {  	s8 =	sadd.s32 $0x2800, s6;
	s9 =	sadd.s32 $0xC600, s6;
	s7 =	sadd.s32 $0x20200, s6  }
0x8: {  	s10 =	sadd.s32 $0x16400, s6;
	s4 =	sadd.s32 $0x2A600, s6;
	s11 =	sand.u32 $0x1, s5  }
0x9: {  	s5 =	sadd.s32 $0x2A000, s6;
	s31 =	smul.u32 $0x9C4, s30;
	_ =	strace $0x80000047  }
0xa: {  	s12 =	sshll.u32 s11, $0x4;
	s13 =	ssub.s32 $0x2, s11;
	p0 =	seq.s32 s11, $0x1  }
0xb: {  	s11 =	simm.s32 $0x4E80;
	s6 =	sadd.s32 s12, s6;
	s14 =	sshrl.u32 s13, $0x1  }
0xc: {  	s8 =	smov.u32 @p0 s7;
	s9 =	smov.u32 @p0 s10;
	p0 =	sne.s32 s30, $0x0  }
0xd: {  	s10 =	simm.s32 $0x1;
	s12 =	simm.s32 $0x9D00;
	s13 =	ssub.s32 s13, s14  }
0xe: {  	s6 =	sadd.s32 $0x2B000, s6;
	s8 =	sadd.s32 s8, s31;
	s9 =	sadd.s32 s9, s31  }
0xf: {  	s14 =	sshrl.u32 @!p0 s2, $0x3;
	s7 =	smax.u32 s13, $0x1;
	s13 =	sshrl.u32 @!p0 s1, $0x3  }
.LBB2_1:
0x10: {  	[tilespmem:s3], [sflag:$0x1] =	stream.linear.gather [hbm4b:s8+s3], $0x4E20, $0x38;
	[tilespmem:$0x13F00] =	vst v63  }
0x11: {  	_ =	swait.ge [sflag:s10], $0x4E20  }
0x12: {  	[sflag:s10] =	ssyncset.done $0x0  }
0x13: {  	[sflag:s10] =	ssyncadd.s32 $0xFFFFB1E0  }
0x14: {  	[tilespmem:s11], [sflag:$0x1] =	stream.linear.gather [hbm4b:s9+s3], $0x4E20, $0x38;
	[tilespmem:$0x13F00] =	vst v63  }
0x15: {  	_ =	swait.ge [sflag:s10], $0x4E20  }
0x16: {  	[sflag:s10] =	ssyncset.done $0x0  }
0x17: {  	[sflag:s10] =	ssyncadd.s32 $0xFFFFB1E0  }
0x18: {  	[tilespmem:s12], [sflag:$0x1] =	stream.linear.gather [hbm4b:s4+s3], $0x4E80, $0x38;
	[tilespmem:$0x13F00] =	vst v63  }
0x19: {  	_ =	swait.ge [sflag:s10], $0x4E80  }
0x1a: {  	[sflag:s10] =	ssyncset.done $0x0  }
0x1b: {  	s18 =	simm.s32 @!p0 $0x1C01;
	s19 =	simm.s32 @!p0 $0x1;
	[sflag:s10] =	ssyncadd.s32 $0xFFFFB180  }
0x1c: {  	[spmem:s13], [sflag:s18] =	dma.local @!p0 [hbm:s5], $0x500  }
0x1d: {  	_ =	swait.ge @!p0 [sflag:s19], $0x500  }
0x1e: {  	[sflag:s19] =	ssyncset.done @!p0 $0x0  }
0x1f: {  	[sflag:s19] =	ssyncadd.s32 @!p0 $0xFFFFFB00  }
0x20: {  	[spmem:s14], [sflag:s18] =	dma.local @!p0 [hbm:s5], $0x500  }
0x21: {  	_ =	swait.ge @!p0 [sflag:s19], $0x500  }
0x22: {  	[sflag:s19] =	ssyncset.done @!p0 $0x0  }
0x23: {  	[sflag:s19] =	ssyncadd.s32 @!p0 $0xFFFFFB00  }
0x24: {  	[bflag:$0x0] =	sbarrier.arrive $0xFFFF  }
0x25: {  	[spmem:s1] =	stream.indirect.scatter.add.f32 [tilespmem:s12], [sflag:$0x1], $0x1, s3, s15, $0xb8;
	[tilespmem:$0x13F00] =	vst v63  }
0x26: {  	_ =	swait.ge [sflag:s10], $0x4E20  }
0x27: {  	[sflag:s10] =	ssyncset.done $0x0  }
0x28: {  	[sflag:s10] =	ssyncadd.s32 $0xFFFFB1E0  }
0x29: {  	[bflag:$0x0] =	sbarrier.arrive $0xFFFF  }
0x2a: {  	[tilespmem:s16], [sflag:$0x1] =	stream.indirect.gather [spmem:s1], $0x1, s3, s15, $0xb8;
	[tilespmem:$0x13F00] =	vst v63  }
0x2b: {  	_ =	swait.ge [sflag:s10], $0x4E20  }
0x2c: {  	[sflag:s10] =	ssyncset.done $0x0  }
0x2d: {  	s18 =	simm.s32 $0xEBD0;
	[sflag:s10] =	ssyncadd.s32 $0xFFFFB1E0  }
0x2e: {  	v0 =	vld [tilespmem:s18+$0xFFFFFFE0]  }
0x2f: {  	v1 =	vld [tilespmem:s18+$0xFFFFFFF0]  }
0x30: {  	v2 =	vld [tilespmem:s18+$0xFFFFFFB0]  }
0x31: {  	v3 =	vld [tilespmem:s18+$0x20]  }
0x32: {  	v4 =	vld [tilespmem:s18+$0x10]  }
0x33: {  	v5 =	vld [tilespmem:s18+$0x0];
	(erf) = vrcp.f32 v0  }
0x34: {  	v0 =	vld [tilespmem:s18+$0xFFFFFFD0];
	(erf) = vrcp.f32 v1  }
0x35: {  	v1 =	vld [tilespmem:s18+$0xFFFFFFC0];
	(erf) = vrcp.f32 v2  }
0x36: {  	(erf) = vrcp.f32 v3  }
0x37: {  	(erf) = vrcp.f32 v4  }
0x38: {  	(erf) = vrcp.f32 v5  }
0x39: {  	(erf) = vrcp.f32 v0  }
0x3a: {  	(erf) = vrcp.f32 v1;
	_ =	sdelay $0x1  }
0x3b: {  	v0 =	vpop (erf)  }
0x3c: {  	[tilespmem:s18+$0xFFFFFFE0] =	vst v0;
	v0 =	vpop (erf)  }
0x3d: {  	[tilespmem:s18+$0xFFFFFFF0] =	vst v0;
	v0 =	vpop (erf)  }
0x3e: {  	[tilespmem:s18+$0xFFFFFFB0] =	vst v0;
	v0 =	vpop (erf)  }
0x3f: {  	[tilespmem:s18+$0x20] =	vst v0;
	v0 =	vpop (erf)  }
0x40: {  	[tilespmem:s18+$0x10] =	vst v0;
	v0 =	vpop (erf)  }
0x41: {  	[tilespmem:s18+$0x0] =	vst v0;
	v0 =	vpop (erf)  }
0x42: {  	[tilespmem:s18+$0xFFFFFFD0] =	vst v0;
	v0 =	vpop (erf)  }
0x43: {  	s31 =	sand.u32 $0x7FE0, s3;
	[tilespmem:s18+$0xFFFFFFC0] =	vst v0  }
0x44: {  	v0 =	vld [tilespmem:s31+$0xEC00];
	_ =	sdelay $0x4  }
0x45: {  	(erf) = vrcp.f32 v0;
	_ =	sdelay $0x8  }
0x46: {  	v0 =	vpop (erf)  }
0x47: {  	[tilespmem:s31+$0xEC00] =	vst v0  }
0x48: {  	s19 =	simm.s32 $0xEC70;
	v0 =	vld [tilespmem:s18+$0x40]  }
0x49: {  	v1 =	vld [tilespmem:s19+$0xFFFFFFE0]  }
0x4a: {  	v2 =	vld [tilespmem:s19+$0xFFFFFFF0]  }
0x4b: {  	v3 =	vld [tilespmem:s19+$0xFFFFFFB0]  }
0x4c: {  	v62 =	vld [tilespmem:s19+$0x20]  }
0x4d: {  	(erf) = vrcp.f32 v0;
	v0 =	vld [tilespmem:s19+$0x10]  }
0x4e: {  	v63 =	vld [tilespmem:s19+$0x0];
	(erf) = vrcp.f32 v1  }
0x4f: {  	v1 =	vld [tilespmem:s19+$0xFFFFFFD0];
	(erf) = vrcp.f32 v2  }
0x50: {  	v2 =	vld [tilespmem:s19+$0xFFFFFFC0];
	(erf) = vrcp.f32 v3  }
0x51: {  	(erf) = vrcp.f32 v62  }
0x52: {  	(erf) = vrcp.f32 v0  }
0x53: {  	(erf) = vrcp.f32 v63  }
0x54: {  	(erf) = vrcp.f32 v1  }
0x55: {  	(erf) = vrcp.f32 v2  }
0x56: {  	s20 =	simm.s32 $0xA0;
	s21 =	simm.s32 $0x140;
	v0 =	vpop (erf)  }
.LBB2_2:
0x57: {  	p1 =	sne.s32 s21, $0x4D80;
	v1 =	vpop (erf);
	[tilespmem:s18+$0x40] =	vst v0;
	s22 =	smov.u32 s21;
	s21 =	sadd.s32 $0xA0, s21  }
0x58: {  	s18 =	smov.u32 s19;
	[tilespmem:s19+$0xFFFFFFE0] =	vst v1;
	v0 =	vpop (erf)  }
0x59: {  	[tilespmem:s19+$0xFFFFFFF0] =	vst v0;
	v0 =	vpop (erf)  }
0x5a: {  	[tilespmem:s19+$0xFFFFFFB0] =	vst v0;
	v0 =	vpop (erf)  }
0x5b: {  	[tilespmem:s19+$0x20] =	vst v0;
	v0 =	vpop (erf)  }
0x5c: {  	[tilespmem:s19+$0x10] =	vst v0;
	v0 =	vpop (erf)  }
0x5d: {  	[tilespmem:s19+$0x0] =	vst v0;
	v0 =	vpop (erf)  }
0x5e: {  	[tilespmem:s19+$0xFFFFFFD0] =	vst v0;
	v0 =	vpop (erf)  }
0x5f: {  	s23 =	sand.u32 $0x7FE0, s20;
	s20 =	smov.u32 s22;
	[tilespmem:s19+$0xFFFFFFC0] =	vst v0  }
0x60: {  	v0 =	vld [tilespmem:s23+$0xEC00];
	_ =	sdelay $0x4  }
0x61: {  	(erf) = vrcp.f32 v0;
	_ =	sdelay $0x8  }
0x62: {  	v0 =	vpop (erf)  }
0x63: {  	s19 =	sadd.s32 $0xA0, s19;
	[tilespmem:s23+$0xEC00] =	vst v0  }
0x64: {  	v0 =	vld [tilespmem:s18+$0x40]  }
0x65: {  	v1 =	vld [tilespmem:s19+$0xFFFFFFE0]  }
0x66: {  	v2 =	vld [tilespmem:s19+$0xFFFFFFF0]  }
0x67: {  	v3 =	vld [tilespmem:s19+$0xFFFFFFB0]  }
0x68: {  	v4 =	vld [tilespmem:s19+$0x20]  }
0x69: {  	v5 =	vld [tilespmem:s19+$0x10];
	(erf) = vrcp.f32 v0  }
0x6a: {  	v0 =	vld [tilespmem:s19+$0x0];
	(erf) = vrcp.f32 v1  }
0x6b: {  	v1 =	vld [tilespmem:s19+$0xFFFFFFD0];
	(erf) = vrcp.f32 v2  }
0x6c: {  	v2 =	vld [tilespmem:s19+$0xFFFFFFC0];
	(erf) = vrcp.f32 v3  }
0x6d: {  	(erf) = vrcp.f32 v4  }
.Ltmp0:
0x6e: {  	(erf) = vrcp.f32 v5;
	(pc) =	sbr.rel @p1 .LBB2_2-.Ltmp0, $4  }
0x6f: {  	(erf) = vrcp.f32 v0  }
0x70: {  	(erf) = vrcp.f32 v1  }
0x71: {  	(erf) = vrcp.f32 v2  }
0x72: {  	v0 =	vpop (erf)  }
0x73: {  	v1 =	vpop (erf);
	[tilespmem:s18+$0x40] =	vst v0  }
0x74: {  	[tilespmem:s19+$0xFFFFFFE0] =	vst v1;
	v57 =	vpop (erf)  }
0x75: {  	[tilespmem:s19+$0xFFFFFFF0] =	vst v57;
	v58 =	vpop (erf)  }
0x76: {  	[tilespmem:s19+$0xFFFFFFB0] =	vst v58;
	v59 =	vpop (erf)  }
0x77: {  	[tilespmem:s19+$0x20] =	vst v59;
	v60 =	vpop (erf)  }
0x78: {  	[tilespmem:s19+$0x10] =	vst v60;
	v61 =	vpop (erf)  }
0x79: {  	[tilespmem:s19+$0x0] =	vst v61;
	v62 =	vpop (erf)  }
0x7a: {  	[tilespmem:s19+$0xFFFFFFD0] =	vst v62;
	v63 =	vpop (erf)  }
0x7b: {  	s31 =	sand.u32 $0x7FE0, s20;
	[tilespmem:s19+$0xFFFFFFC0] =	vst v63  }
0x7c: {  	v0 =	vld [tilespmem:s31+$0xEC00];
	_ =	sdelay $0x4  }
0x7d: {  	(erf) = vrcp.f32 v0;
	_ =	sdelay $0x8  }
0x7e: {  	v0 =	vpop (erf)  }
0x7f: {  	[tilespmem:s31+$0xEC00] =	vst v0  }
0x80: {  	v0 =	vld [tilespmem:s19+$0x40];
	_ =	sdelay $0x4  }
0x81: {  	(erf) = vrcp.f32 v0;
	_ =	sdelay $0x8  }
0x82: {  	v0 =	vpop (erf)  }
0x83: {  	[tilespmem:s19+$0x40] =	vst v0  }
0x84: {  	[spmem:s2] =	stream.indirect.scatter.add.f32 [tilespmem:s16], [sflag:$0x1], $0x1, s11, s15, $0xb8;
	[tilespmem:$0x13F00] =	vst v63  }
0x85: {  	s18 =	simm.s32 @!p0 $0x1;
	_ =	swait.ge [sflag:s10], $0x4E20  }
0x86: {  	s20 =	simm.s32 @!p0 $0x10;
	s17 =	sadd.s32 $0x1, s17;
	[sflag:s10] =	ssyncset.done $0x0  }
0x87: {  	s21 =	simm.s32 @!p0 $0x1C01;
	p1 =	sne.s32 s17, s7;
	[sflag:s10] =	ssyncadd.s32 $0xFFFFB1E0  }
.Ltmp1:
0x88: {  	s19 =	simm.s32 @!p0 $0x20;
	[bflag:$0x0] =	sbarrier.arrive $0xFFFF;
	(pc) =	sbr.rel @p1 .LBB2_1-.Ltmp1, $4  }
0x89: {  	[hbm:s6@s19], [sflag:s21] =	dma.strided @!p0 [spmem:s14@s20], $0x500, s18, $0x10   }
0x8a: {  	_ =	swait.ge @!p0 [sflag:s18], $0x500  }
0x8b: {  	[sflag:s18] =	ssyncset.done @!p0 $0x0  }
0x8c: {  	[sflag:s18] =	ssyncadd.s32 @!p0 $0xFFFFFB00  }
0x8d: {  	_ =	sfence.sel $0x180000  }
0x8e: {  	[bflag:$0x0] =	sbarrier.arrive $0xFFFF  }
0x8f: {  	_ =	strace $0x90000047  }
0x90: {  	s0 =	sadd.s32 @!p0 $0x100000, s0;
	[bflag:$0x2] =	sbarrier.arrive $0xFFFF  }
0x91: {  	[sflag:s0] =	ssyncadd.tile.s32 @!p0 $0x1;
	_ =	shalt  }
.Lfunc_end2:
_tile_overlayer_lowered:
.L_overlay_start_2:
0x92: {  	(tag) =	ssettag $0x2  }
0x93: {  	s0 =	rddreg [dreg:$0x0];
	s2 =	stileid.u32  }
0x94: {  	s1 =	rddreg [dreg:$0x1];
	p0 =	sne.s32 s2, $0x0  }
0x95: {  	s3 =	rddreg [dreg:$0x2];
	[bflag:$0x3] =	sbarrier.arrive $0xFFFF;
	s2 =	simm.s32 @!p0 $0x1C01  }
0x96: {  	[timem:s3], [sflag:s2] =	dma.local @!p0 [hbm:s0], s1  }
0x97: {  	s0 =	simm.s32 @!p0 $0x1  }
0x98: {  	_ =	swait.ge @!p0 [sflag:s0], s1  }
0x99: {  	s1 =	ssub.s32 @!p0 $0x0, s1;
	[sflag:s0] =	ssyncset.done @!p0 $0x0  }
0x9a: {  	[sflag:s0] =	ssyncadd.s32 @!p0 s1  }
0x9b: {  	[bflag:$0x3] =	sbarrier.arrive $0xFFFF  }
0x9c: {  	_ =	shalt  }

</sc_bundles>
